<compile_context>
chip_gen: v7x
topology: tpu7x:2x2x1
jax: 0.10.2.dev20260603
libtpu: 0.0.44.dev20260713+nightly
codegen_flags: <defaults>
</compile_context>

<pallas_src>
import jax
import jax.numpy as jnp
from jax import lax
from jax.experimental import pallas as pl
from jax.experimental.pallas import tpu as pltpu
from jax.experimental.pallas import tpu_sc as plsc

_BATCH = 4
_NUM_AGENTS = 4
_D0 = 128
_D1 = 64
_DOUT = _D0 + _D1
_ROWS = _BATCH * _NUM_AGENTS
_NODE_BLOCK = 16


def _root_gather_scs(qs0_hbm, qs1_hbm, out_hbm, sem):
    def body(n, best):
        used = n == 0
        agent_idx = jnp.where(n == 0, _NUM_AGENTS - 1, 0)
        horizon = jnp.int32(0)
        obs0 = jnp.where(n == 0, 0, -1)
        obs1 = jnp.where(n == 0, 0, -1)
        m = (
            used
            & (agent_idx == _NUM_AGENTS - 1)
            & (horizon == 0)
            & jnp.logical_not((obs0 == -1) & (obs1 == -1))
        )
        return jnp.where(m & (n < best), n, best)

    ridx = lax.fori_loop(0, _NODE_BLOCK, body, jnp.int32(2**30))

    cp0 = pltpu.async_copy(qs0_hbm.at[ridx], out_hbm.at[:, pl.ds(0, _D0)], sem)
    cp1 = pltpu.async_copy(qs1_hbm.at[ridx], out_hbm.at[:, pl.ds(_D0, _D1)], sem)
    cp0.wait()
    cp1.wait()


@jax.jit
def kernel(qs_0, qs_1):
    qs0_nodes = qs_0.reshape(1, _ROWS, _D0)
    qs1_nodes = qs_1.reshape(1, _ROWS, _D1)
    mesh = plsc.ScalarSubcoreMesh(axis_name="c", num_cores=1)
    out = pl.kernel(
        _root_gather_scs,
        mesh=mesh,
        out_type=jax.ShapeDtypeStruct((_ROWS, _DOUT), jnp.float32),
        scratch_types=[pltpu.SemaphoreType.DMA],
        compiler_params=pltpu.CompilerParams(
            needs_layout_passes=False,
            use_tc_tiling_on_sc=False,
        ),
    )(qs0_nodes, qs1_nodes)
    return out.reshape(_BATCH, _NUM_AGENTS, 1, _DOUT)

# --- scband reference (transcript-rebuilt; emitter-appended) ---
"""Pipeline reference for scband-tree-57466662420893 (READ-ONLY COPY).

The authoritative reference and input builder live on the scoring server;
editing this copy changes nothing except your own understanding.
"""

import jax, jax.numpy as jnp
import numpy as np

BATCH = 4
MAX_NODES = 8192
MAX_BRANCH = 32
NUM_AGENTS = 4
NUM_ACTION_MOD = 2
NUM_OBS_MOD = 2
PRUNE_PENALTY = 512


def setup_inputs(seed: int = 0) -> dict:
    key = jax.random.key(seed)
    k0, k1 = jax.random.split(key)
    qs_0 = jax.random.uniform(k0, (BATCH, NUM_AGENTS, 1, 128), dtype=jnp.float32)
    qs_1 = jax.random.uniform(k1, (BATCH, NUM_AGENTS, 1, 64), dtype=jnp.float32)
    return {"qs_0": qs_0, "qs_1": qs_1}


def reference(qs_0, qs_1):
    # Faithful translation of Tree.__init__ (pre-allocation + scatter-init of node 0)
    # followed by root_idx + Tree.root() gather, vectorized over the batch dim.
    qs_init = [qs_0, qs_1]
    num_agents = NUM_AGENTS

    agent_idx = jnp.zeros((BATCH, MAX_NODES, 1), dtype=jnp.int32)
    qs = [jnp.zeros((BATCH, MAX_NODES, num_agents, 1, q.shape[-1]), dtype=jnp.float32) for q in qs_init]
    ll = [jnp.zeros((BATCH, MAX_NODES, num_agents - 1, 1, q.shape[-1]), dtype=jnp.float32) for q in qs_init]
    policy = -jnp.ones((BATCH, MAX_NODES, NUM_ACTION_MOD), dtype=jnp.int32)
    observation = -jnp.ones((BATCH, MAX_NODES, NUM_OBS_MOD), dtype=jnp.int32)
    G = jnp.zeros((BATCH, MAX_NODES, 1), dtype=jnp.float32)
    q_pi_marginalized = jnp.zeros((BATCH, MAX_NODES, MAX_BRANCH), dtype=jnp.float32)
    G_recursive = jnp.zeros((BATCH, MAX_NODES, MAX_BRANCH), dtype=jnp.float32)
    G_recursive = G_recursive.at[:, -1, :].set(-PRUNE_PENALTY)
    used = jnp.zeros((BATCH, MAX_NODES, 1), dtype=bool)
    horizon = jnp.zeros((BATCH, MAX_NODES, 1), dtype=jnp.int32)
    depth = jnp.zeros((BATCH, MAX_NODES, 1), dtype=jnp.int32)
    children_indices = -jnp.ones((BATCH, MAX_NODES, MAX_BRANCH), dtype=jnp.int32)
    children_probs = jnp.zeros((BATCH, MAX_NODES, MAX_BRANCH), dtype=jnp.float32)
    other_tree_idx = jnp.zeros((BATCH, MAX_NODES, num_agents - 1, 1), dtype=jnp.int32)

    # scatter-overwrite initialization of the root node slot
    qs = [x.at[:, 0, ...].set(y) for x, y in zip(qs, qs_init)]
    used = used.at[:, 0].set(True)
    observation = observation.at[:, 0].set(0)
    agent_idx = agent_idx.at[:, 0].set(num_agents - 1)

    # root_idx: first node that is used, owned by the last agent, at horizon 0,
    # and with a valid (non -1) observation. Vectorized over batch.
    mask = (
        used[:, :, 0]
        & (agent_idx[:, :, 0] == num_agents - 1)
        & (horizon[:, :, 0] == 0)
        & ~jnp.all(observation == -1, axis=-1)
    )
    ridx = jnp.argmax(mask, axis=1)  # first True index per batch element

    b = jnp.arange(BATCH)
    root_qs0 = qs[0][b, ridx]          # [BATCH, num_agents, 1, 128]
    root_qs1 = qs[1][b, ridx]          # [BATCH, num_agents, 1, 64]
    root_G = G[b, ridx]                # [BATCH, 1]
    root_G_rec = G_recursive[b, ridx]  # [BATCH, MAX_BRANCH]

    out = jnp.concatenate([root_qs0, root_qs1], axis=-1)  # [BATCH, num_agents, 1, 192]
    return out

if __name__ == "__main__":
    import jax
    _d = setup_inputs()
    print(jax.jit(kernel)(*tuple(_d.values())))

</pallas_src>

<mosaic_0001>
#map = affine_map<(d0) -> (0, 0, 0)>
#map1 = affine_map<(d0) -> (0, 0)>
module attributes {stable_mosaic.version = 14 : i64} {
  func.func @_root_gather_scs(%arg0: i32, %arg1: memref<1x16x128xf32, #tpu.memory_space<hbm>>, %arg2: memref<1x16x64xf32, #tpu.memory_space<hbm>>, %arg3: memref<16x192xf32, #tpu.memory_space<hbm>>, %arg4: memref<!tpu.dma_semaphore, #tpu.memory_space<semaphore_mem>>) attributes {dimension_semantics = [#tpu.dimension_semantics<core_parallel>], iteration_bounds = array<i64: 1>, scalar_prefetch = 0 : i64, scratch_operands = 1 : i64, tpu.core_type = #tpu.core_type<sc_scalar_subcore>, window_params = [{transform_indices = #map}, {transform_indices = #map}, {transform_indices = #map1}]} {
    %scan3A = arith.constant 1073741824 : i32
    %scan3A_0 = arith.constant 0 : i32
    %scan3A_1 = arith.constant 16 : i32
    %scan3A_2 = arith.addi %scan3A_0, %scan3A_1 : i32
    %scan3A_3 = arith.constant 1 : i32
    %scan3A_4 = scf.for %scan3A_32 = %scan3A_0 to %scan3A_2 step %scan3A_3 iter_args(%scan3A_33 = %scan3A) -> (i32)  : i32 {
      %eq3A = arith.constant 0 : i32
      %eq3A_34 = arith.cmpi eq, %scan3A_32, %eq3A : i32
      %eq3A_35 = arith.constant 0 : i32
      %eq3A_36 = arith.cmpi eq, %scan3A_32, %eq3A_35 : i32
      %jit3A = arith.constant 3 : i32
      %jit3A_37 = arith.constant 0 : i32
      %select_n3A = arith.select %eq3A_36, %jit3A, %jit3A_37 : i32
      %eq3A_38 = arith.constant 0 : i32
      %eq3A_39 = arith.cmpi eq, %scan3A_32, %eq3A_38 : i32
      %jit3A_40 = arith.constant 0 : i32
      %jit3A_41 = arith.constant -1 : i32
      %select_n3A_42 = arith.select %eq3A_39, %jit3A_40, %jit3A_41 : i32
      %eq3A_43 = arith.constant 0 : i32
      %eq3A_44 = arith.cmpi eq, %scan3A_32, %eq3A_43 : i32
      %jit3A_45 = arith.constant 0 : i32
      %jit3A_46 = arith.constant -1 : i32
      %select_n3A_47 = arith.select %eq3A_44, %jit3A_45, %jit3A_46 : i32
      %eq3A_48 = arith.constant 3 : i32
      %eq3A_49 = arith.cmpi eq, %select_n3A, %eq3A_48 : i32
      %and3A = arith.andi %eq3A_34, %eq3A_49 : i1
      %eq3A_50 = arith.constant 0 : i32
      %eq3A_51 = arith.constant 0 : i32
      %eq3A_52 = arith.cmpi eq, %eq3A_50, %eq3A_51 : i32
      %and3A_53 = arith.andi %and3A, %eq3A_52 : i1
      %eq3A_54 = arith.constant -1 : i32
      %eq3A_55 = arith.cmpi eq, %select_n3A_42, %eq3A_54 : i32
      %eq3A_56 = arith.constant -1 : i32
      %eq3A_57 = arith.cmpi eq, %select_n3A_47, %eq3A_56 : i32
      %and3A_58 = arith.andi %eq3A_55, %eq3A_57 : i1
      %not3A = arith.constant true
      %not3A_59 = arith.xori %and3A_58, %not3A : i1
      %and3A_60 = arith.andi %and3A_53, %not3A_59 : i1
      %lt3A = arith.cmpi slt, %scan3A_32, %scan3A_33 : i32
      %and3A_61 = arith.andi %and3A_60, %lt3A : i1
      %select_n3A_62 = arith.select %and3A_61, %scan3A_32, %scan3A_33 : i32
      scf.yield %select_n3A_62 : i32
    }
    %scan3A_5 = arith.constant 16 : i32
    %dma_start3A = arith.constant 0 : i32
    %dma_start3A_6 = arith.constant 0 : i32
    %dma_start3A_7 = tpu.memref_slice %arg3[%dma_start3A, %dma_start3A_6] : memref<16x192xf32, #tpu.memory_space<hbm>> -> memref<16x128xf32, #tpu.memory_space<hbm>>
    %dma_start3A_8 = arith.constant 0 : i32
    %dma_start3A_9 = arith.constant 0 : i32
    %dma_start3A_10 = tpu.memref_slice %arg1[%scan3A_4, %dma_start3A_8, %dma_start3A_9] : memref<1x16x128xf32, #tpu.memory_space<hbm>> -> memref<1x16x128xf32, #tpu.memory_space<hbm>>
    %dma_start3A_11 = tpu.memref_squeeze %dma_start3A_10 : memref<1x16x128xf32, #tpu.memory_space<hbm>> -> memref<16x128xf32, #tpu.memory_space<hbm>>
    tpu.enqueue_dma source(%dma_start3A_11 : memref<16x128xf32, #tpu.memory_space<hbm>>) target(%dma_start3A_7 : memref<16x128xf32, #tpu.memory_space<hbm>>) target_semaphore(%arg4 : memref<!tpu.dma_semaphore, #tpu.memory_space<semaphore_mem>>)
    %dma_start3A_12 = arith.constant 0 : i32
    %dma_start3A_13 = arith.constant 128 : i32
    %dma_start3A_14 = tpu.memref_slice %arg3[%dma_start3A_12, %dma_start3A_13] : memref<16x192xf32, #tpu.memory_space<hbm>> -> memref<16x64xf32, #tpu.memory_space<hbm>>
    %dma_start3A_15 = arith.constant 0 : i32
    %dma_start3A_16 = arith.constant 0 : i32
    %dma_start3A_17 = tpu.memref_slice %arg2[%scan3A_4, %dma_start3A_15, %dma_start3A_16] : memref<1x16x64xf32, #tpu.memory_space<hbm>> -> memref<1x16x64xf32, #tpu.memory_space<hbm>>
    %dma_start3A_18 = tpu.memref_squeeze %dma_start3A_17 : memref<1x16x64xf32, #tpu.memory_space<hbm>> -> memref<16x64xf32, #tpu.memory_space<hbm>>
    tpu.enqueue_dma source(%dma_start3A_18 : memref<16x64xf32, #tpu.memory_space<hbm>>) target(%dma_start3A_14 : memref<16x64xf32, #tpu.memory_space<hbm>>) target_semaphore(%arg4 : memref<!tpu.dma_semaphore, #tpu.memory_space<semaphore_mem>>)
    %dma_wait3A = arith.constant 0 : i32
    %dma_wait3A_19 = arith.constant 0 : i32
    %dma_wait3A_20 = tpu.memref_slice %arg3[%dma_wait3A, %dma_wait3A_19] : memref<16x192xf32, #tpu.memory_space<hbm>> -> memref<16x128xf32, #tpu.memory_space<hbm>>
    %dma_wait3A_21 = arith.constant 0 : i32
    %dma_wait3A_22 = arith.constant 0 : i32
    %dma_wait3A_23 = tpu.memref_slice %arg1[%scan3A_4, %dma_wait3A_21, %dma_wait3A_22] : memref<1x16x128xf32, #tpu.memory_space<hbm>> -> memref<1x16x128xf32, #tpu.memory_space<hbm>>
    %dma_wait3A_24 = tpu.memref_squeeze %dma_wait3A_23 : memref<1x16x128xf32, #tpu.memory_space<hbm>> -> memref<16x128xf32, #tpu.memory_space<hbm>>
    tpu.wait_dma2 semaphore(%arg4 : memref<!tpu.dma_semaphore, #tpu.memory_space<semaphore_mem>>) src(%dma_wait3A_24 : memref<16x128xf32, #tpu.memory_space<hbm>>) dst(%dma_wait3A_20 : memref<16x128xf32, #tpu.memory_space<hbm>>)
    %dma_wait3A_25 = arith.constant 0 : i32
    %dma_wait3A_26 = arith.constant 128 : i32
    %dma_wait3A_27 = tpu.memref_slice %arg3[%dma_wait3A_25, %dma_wait3A_26] : memref<16x192xf32, #tpu.memory_space<hbm>> -> memref<16x64xf32, #tpu.memory_space<hbm>>
    %dma_wait3A_28 = arith.constant 0 : i32
    %dma_wait3A_29 = arith.constant 0 : i32
    %dma_wait3A_30 = tpu.memref_slice %arg2[%scan3A_4, %dma_wait3A_28, %dma_wait3A_29] : memref<1x16x64xf32, #tpu.memory_space<hbm>> -> memref<1x16x64xf32, #tpu.memory_space<hbm>>
    %dma_wait3A_31 = tpu.memref_squeeze %dma_wait3A_30 : memref<1x16x64xf32, #tpu.memory_space<hbm>> -> memref<16x64xf32, #tpu.memory_space<hbm>>
    tpu.wait_dma2 semaphore(%arg4 : memref<!tpu.dma_semaphore, #tpu.memory_space<semaphore_mem>>) src(%dma_wait3A_31 : memref<16x64xf32, #tpu.memory_space<hbm>>) dst(%dma_wait3A_27 : memref<16x64xf32, #tpu.memory_space<hbm>>)
    return
  }
}

</mosaic_0001>

<sc_bundles>
// kernel: kernel.3.cloned.1.call-start
scs
__scs_entry_jumppad:
0x0: {  	(pc) =	sbr.rel $0x88, $3  }
0x1: {  	(tag) =	ssettag $0x0;
	lr =	simm.s32 $0x1  }
0x2: {  	[smem:$0x3F9F] =	sst lr;
	_ =	strace $0xD0000000  }
0x3: {  	_ = 	snop  }
0x4: {  	_ = 	snop  }
0x5: {  	_ = 	snop  }
0x6: {  	_ = 	snop  }
0x7: {  	_ = 	snop  }
__scs_overlays_trampoline_lowered:
0x8: {  	[smem:$0x3FAE] =	sst s0  }
0x9: {  	[smem:$0x3FAF] =	sst s1  }
0xa: {  	[smem:$0x3FB0] =	sst s2  }
0xb: {  	[smem:$0x3FB1] =	sst s3  }
0xc: {  	[smem:$0x3FB2] =	sst s4  }
0xd: {  	[smem:$0x3FB3] =	sst s5  }
0xe: {  	[smem:$0x3FB4] =	sst s6  }
0xf: {  	[smem:$0x3FB5] =	sst s7  }
0x10: {  	[smem:$0x3FB6] =	sst s8  }
0x11: {  	[smem:$0x3FB7] =	sst s9;
	s0 =	simm.s32 @!p0 $0x0  }
0x12: {  	s1 =	sld [smem:$0x3F9D];
	s0 =	simm.s32 @p0 $0x1  }
0x13: {  	[smem:$0x3FB8] =	sst s0;
	s0 =	simm.s32 @!p1 $0x0  }
0x14: {  	s2 =	sld [smem:$0x3F9C];
	s0 =	simm.s32 @p1 $0x1  }
0x15: {  	[smem:$0x3FB9] =	sst s0;
	s0 =	simm.s32 @!p2 $0x0  }
0x16: {  	s3 =	sld [smem:$0x3FDB];
	s0 =	simm.s32 @p2 $0x1  }
0x17: {  	s4 =	simm.s32 $0x1BF5;
	[smem:$0x3FBB] =	sst s0  }
0x18: {  	s0 =	sld [smem:$0x3F9E];
	_ =	swait.ge [sflag:s4], $0x0  }
0x19: {  	s7 =	sld [smem:$0x3F9F]  }
0x1a: {  	s8 =	sadd.s32 $0xFFFFE003, lr  }
0x1b: {  	s9 =	sadd.s32 $0xFFFFFEF7, lr;
	s5 =	simm.s32 $0xFFFFFFFF;
	p2 =	slt.u32 s8, $0xFFFFF086  }
0x1c: {  	p1 =	slt.u32 s9, $0xF7A;
	s5 =	simm.s32 @!p2 $0x0  }
0x1d: {  	s5 =	simm.s32 @p1 $0x1;
	p0 =	seq.s32 s7, s2  }
0x1e: {  	s7 =	smul.u32 @!p0 $0xF7A, s2;
	p2 =	seq.s32 @!p0 s5, $0x0  }
0x1f: {  	s9 =	smul.u32 $0xF7A, s1;
	s8 =	simm.s32 @!p0 $0x1BF5;
	p2 =	por !p2, p0  }
0x20: {  	[sflag:s8] =	ssyncset.s32 @!p0 $0xFFFFF086;
	s6 =	sadd.s32 @!p0 s3, s7;
	s7 =	simm.s32 @!p0 $0x108  }
0x21: {  	s3 =	sadd.s32 s3, s9;
	s6 =	sadd.s32 @!p0 $0x88, s6;
	s7 =	simm.s32 @p2 $0x1082  }
0x22: {  	[simem:s7], [sflag:s8] =	dma.local @!p0 [hbm:s6], $0xF7A  }
0x23: {  	s9 =	sor.u32 $0xD0000000, s2;
	s6 =	simm.s32 $0x108;
	_ =	swait.ge @!p0 [sflag:s8], $0x0  }
0x24: {  	s3 =	sadd.s32 $0x88, s3;
	s6 =	simm.s32 @!p1 $0x1082;
	[sflag:s4] =	ssyncset.s32 $0xFFFFF086  }
0x25: {  	[simem:s6], [sflag:s4] =	dma.local [hbm:s3], $0xF7A  }
0x26: {  	[smem:$0x3F9F] =	sst s1;
	(tag) =	ssettag s2;
	_ =	strace s9  }
0x27: {  	s1 =	sld [smem:$0x3FAF]  }
0x28: {  	s2 =	sld [smem:$0x3FB0]  }
0x29: {  	s4 =	sld [smem:$0x3FB2]  }
0x2a: {  	p0 =	seq.s32 s5, $0x0;
	s5 =	sld [smem:$0x3FB3]  }
0x2b: {  	s6 =	sld [smem:$0x3FB4]  }
0x2c: {  	s7 =	sld [smem:$0x3FB5]  }
0x2d: {  	s3 =	simm.s32 $0x108;
	s8 =	sld [smem:$0x3FB6]  }
0x2e: {  	s3 =	simm.s32 @!p0 $0x1082;
	s9 =	sld [smem:$0x3FB7]  }
0x2f: {  	lr =	sadd.s32 s0, s3;
	s0 =	sld [smem:$0x3FAE]  }
0x30: {  	s3 =	sld [smem:$0x3FB1]  }
0x31: {  	[smem:$0x3FBA] =	sst s10  }
0x32: {  	s10 =	sld [smem:$0x3FB8];
	_ =	sdelay $0x3  }
0x33: {  	p0 =	seq.s32 s10, $0x1;
	s10 =	sld [smem:$0x3FBA];
	_ =	sdelay $0x3  }
0x34: {  	[smem:$0x3FBA] =	sst s10  }
0x35: {  	s10 =	sld [smem:$0x3FB9];
	_ =	sdelay $0x3  }
0x36: {  	p1 =	seq.s32 s10, $0x1;
	s10 =	sld [smem:$0x3FBA];
	_ =	sdelay $0x3  }
0x37: {  	[smem:$0x3FBA] =	sst s10  }
0x38: {  	s10 =	sld [smem:$0x3FBB]  }
0x39: {  	_ = 	snop;
	(pc) =	sbr.ind lr, $3  }
0x3a: {  	_ = 	snop  }
0x3b: {  	_ = 	snop  }
0x3c: {  	p2 =	seq.s32 s10, $0x1;
	s10 =	sld [smem:$0x3FBA]  }
0x3d: {  	_ =	shalt  }
0x3e: {  	_ =	shalt  }
0x3f: {  	_ =	shalt  }
0x40: {  	_ =	shalt  }
0x41: {  	_ =	shalt  }
0x42: {  	_ =	shalt  }
0x43: {  	_ =	shalt  }
0x44: {  	_ =	shalt  }
0x45: {  	_ =	shalt  }
0x46: {  	_ =	shalt  }
0x47: {  	_ =	shalt  }
0x48: {  	_ =	shalt  }
0x49: {  	_ =	shalt  }
0x4a: {  	_ =	shalt  }
0x4b: {  	_ =	shalt  }
0x4c: {  	_ =	shalt  }
0x4d: {  	_ =	shalt  }
0x4e: {  	_ =	shalt  }
0x4f: {  	_ =	shalt  }
0x50: {  	_ =	shalt  }
0x51: {  	_ =	shalt  }
0x52: {  	_ =	shalt  }
0x53: {  	_ =	shalt  }
0x54: {  	_ =	shalt  }
0x55: {  	_ =	shalt  }
0x56: {  	_ =	shalt  }
0x57: {  	_ =	shalt  }
0x58: {  	_ =	shalt  }
0x59: {  	_ =	shalt  }
0x5a: {  	_ =	shalt  }
0x5b: {  	_ =	shalt  }
0x5c: {  	_ =	shalt  }
0x5d: {  	_ =	shalt  }
0x5e: {  	_ =	shalt  }
0x5f: {  	_ =	shalt  }
0x60: {  	_ =	shalt  }
0x61: {  	_ =	shalt  }
0x62: {  	_ =	shalt  }
0x63: {  	_ =	shalt  }
0x64: {  	_ =	shalt  }
0x65: {  	_ =	shalt  }
0x66: {  	_ =	shalt  }
0x67: {  	_ =	shalt  }
0x68: {  	_ =	shalt  }
0x69: {  	_ =	shalt  }
0x6a: {  	_ =	shalt  }
0x6b: {  	_ =	shalt  }
0x6c: {  	_ =	shalt  }
0x6d: {  	_ =	shalt  }
0x6e: {  	_ =	shalt  }
0x6f: {  	_ =	shalt  }
0x70: {  	_ =	shalt  }
0x71: {  	_ =	shalt  }
0x72: {  	_ =	shalt  }
0x73: {  	_ =	shalt  }
0x74: {  	_ =	shalt  }
0x75: {  	_ =	shalt  }
0x76: {  	_ =	shalt  }
0x77: {  	_ =	shalt  }
0x78: {  	_ =	shalt  }
0x79: {  	_ =	shalt  }
0x7a: {  	_ =	shalt  }
0x7b: {  	_ =	shalt  }
0x7c: {  	_ =	shalt  }
0x7d: {  	_ =	shalt  }
0x7e: {  	_ =	shalt  }
0x7f: {  	_ =	shalt  }
0x80: {  	_ =	shalt  }
0x81: {  	_ =	shalt  }
0x82: {  	_ =	shalt  }
0x83: {  	_ =	shalt  }
0x84: {  	_ =	shalt  }
0x85: {  	_ =	shalt  }
0x86: {  	_ =	shalt  }
0x87: {  	_ =	shalt  }
.Lfunc_end0:
.L_simem_size_0:
called_computation_lowered:
.L_overlay_start_0:
0x88: {  	s0 =	sld [smem:$0x3FD9]  }
0x89: {  	s1 =	sld [smem:$0x3FFE];
	_ =	sdelay $0x3  }
0x8a: {  	s0 =	sadd.s32 s1, s0  }
0x8b: {  	s2 =	simm.s32 $0x0;
	[smem:$0x3FC6] =	sst s0  }
0x8c: {  	[smem:$0xF] =	sst s2  }
0x8d: {  	s0 =	sld [smem:$0x3FC9]  }
0x8e: {  	s20 =	sld [smem:$0x3FD0];
	(tm) =	ssettm $0x1  }
0x8f: {  	s21 =	sld [smem:$0x3FFB];
	_ =	sdelay $0x3  }
0x90: {  	_ =	strace s21  }
0x91: {  	s2 =	sld [smem:$0x3FFC];
	_ =	sdelay $0x3  }
0x92: {  	_ =	strace s2  }
0x93: {  	s2 =	sld [smem:$0x3FFD];
	_ =	sdelay $0x3  }
0x94: {  	_ =	strace s2  }
0x95: {  	s22 =	simm.s32 $0x1B8B;
	_ =	strace $0x8FFFFFFF  }
0x96: {  	_ =	swait.ge [sflag:s22], $0x1  }
0x97: {  	s3 =	sld [smem:$0x3FFE]  }
0x98: {  	s23 =	simm.s32 $0x1B8E;
	s4 =	simm.s32 $0x1;
	[sflag:s22] =	ssyncset.done $0x0  }
0x99: {  	s5 =	simm.s32 $0x18;
	s6 =	simm.s32 $0x10;
	[sflag:s22] =	ssyncadd.s32 $0xFFFFFFFF  }
0x9a: {  	s7 =	simm.s32 $0x9;
	s26 =	simm.s32 $0x8;
	[smem:$0x3FD2] =	sst s23  }
0x9b: {  	_ =	strace $0x80000046;
	s24 =	sadd.s32 $0x400, s3;
	s25 =	sadd.s32 $0x410, s3  }
0x9c: {  	[hbm:s24@s5], [sflag:s7] =	dma.strided [hbm:s0@s6], $0x100, s4, $0x10   }
0x9d: {  	[hbm:s25@s5], [sflag:s7] =	dma.strided [hbm:s20@s26], $0x80, s4, $0x8   }
0x9e: {  	_ =	swait.ge [sflag:s7], $0x100  }
0x9f: {  	[sflag:s7] =	ssyncset.done $0x0  }
0xa0: {  	[sflag:s7] =	ssyncadd.s32 $0xFFFFFF00;
	_ =	sdelay $0x2  }
0xa1: {  	_ =	swait.ge [sflag:s7], $0x80  }
0xa2: {  	[sflag:s7] =	ssyncset.done $0x0  }
0xa3: {  	[sflag:s7] =	ssyncadd.s32 $0xFFFFFF80  }
0xa4: {  	_ =	strace $0x90000046  }
0xa5: {  	_ =	sfence  }
0xa6: {  	s28 =	sld [smem:$0x0];
	_ =	sdelay $0x1  }
0xa7: {  	s29 =	srdreg.scid  }
0xa8: {  	s30 =	sshll.u32 s29, $0xD;
	s31 =	sshrl.u32 s29, $0x2  }
0xa9: {  	s1 =	sand.u32 $0x1, s29;
	s2 =	sand.u32 $0x4000, s30;
	s0 =	sadd.s32 s31, s28  }
0xaa: {  	s1 =	sor.u32 s2, s1;
	s0 =	sshll.u32 s0, $0x11  }
0xab: {  	s0 =	sor.u32 s0, s1  }
0xac: {  	s0 =	sadd.s32 $0x8F2B, s0;
	(pc) =	sbr.abs _section_cstart, $3  }
0xad: {  	[sflag:s0] =	ssyncadd.remote.s32 $0x1  }
0xae: {  	_ =	strace $0x9FFFFFFF  }
0xaf: {  	(tm) =	ssettm $0x7FFFFFFF  }

</sc_bundles>
